<compile_context>
chip_gen: v7x
topology: tpu7x:2x2x1
jax: 0.10.2.dev20260603
libtpu: 0.0.44.dev20260713+nightly
codegen_flags: <defaults>
</compile_context>

<pallas_src>
import functools

import jax
import jax.numpy as jnp
from jax import lax
from jax.experimental import pallas as pl
from jax.experimental.pallas import tpu as pltpu
from jax.experimental.pallas import tpu_sc as plsc

B, H, W = 8, 32, 32
D = 384
C = 2 * D
NLANE = 16

_info = plsc.get_sparse_core_info()
NC, NS = _info.num_cores, _info.num_subcores
NW = NC * NS


def _pos_body(col_hbm, row_hbm, out_hbm, plane_v, rowv, sem, sem_row):
    i = lax.axis_index("c") * NS + lax.axis_index("s")

    ccol = pltpu.async_copy(
        col_hbm.at[pl.ds(0, H), :], plane_v.at[:, pl.ds(0, D)], sem
    )
    crow = pltpu.async_copy(row_hbm.at[pl.ds(i, 1), :], rowv, sem_row)
    crow.wait()

    vals = [rowv[0, pl.ds(k * NLANE, NLANE)] for k in range(D // NLANE)]

    def fill(j, _):
        for k, v in enumerate(vals):
            plane_v[j, pl.ds(D + k * NLANE, NLANE)] = v
        return 0

    lax.fori_loop(0, H, fill, 0)
    ccol.wait()

    copies = [
        pltpu.async_copy(plane_v, out_hbm.at[b, i], sem)
        for b in range(B)
    ]
    for cp in copies:
        cp.wait()


@functools.partial(
    pl.kernel,
    mesh=plsc.VectorSubcoreMesh(core_axis_name="c", subcore_axis_name="s"),
    compiler_params=pltpu.CompilerParams(
        needs_layout_passes=False,
        skip_device_barrier=True,
    ),
    out_type=jax.ShapeDtypeStruct((B, H, W, C), jnp.float32),
    scratch_types=[
        pltpu.VMEM((W, C), jnp.float32),
        pltpu.VMEM((1, D), jnp.float32),
        pltpu.SemaphoreType.DMA,
        pltpu.SemaphoreType.DMA,
    ],
)
def _pos_kernel(col_hbm, row_hbm, out_hbm, plane_v, rowv, sem, sem_row):
    _pos_body(col_hbm, row_hbm, out_hbm, plane_v, rowv, sem, sem_row)


def kernel(input, col_W, row_W):
    del input
    pos_cl = _pos_kernel(col_W, row_W)
    return jnp.transpose(pos_cl, (0, 3, 1, 2))

# --- scband reference (transcript-rebuilt; emitter-appended) ---
"""Pipeline reference for scband-position-embedding-learnable-13967233646813 (READ-ONLY COPY).

The authoritative reference and input builder live on the scoring server;
editing this copy changes nothing except your own understanding.
"""

import jax, jax.numpy as jnp
import numpy as np

def setup_inputs(seed: int = 0) -> dict:
    key = jax.random.key(seed)
    k1, k2, k3 = jax.random.split(key, 3)
    inp = jax.random.normal(k1, (8, 768, 32, 32), dtype=jnp.float32)
    col_W = jax.random.normal(k2, (64, 384), dtype=jnp.float32) * 0.02
    row_W = jax.random.normal(k3, (64, 384), dtype=jnp.float32) * 0.02
    return {"input": inp, "col_W": col_W, "row_W": row_W}

def reference(input, col_W, row_W):
    b, c, h, w = input.shape
    d = col_W.shape[1]
    # col_embed(arange(w)) -> [w, d], unsqueeze(0).repeat(h,1,1) -> [h, w, d]
    x_embed = jnp.take(col_W, jnp.arange(w), axis=0)
    x_embed = jnp.broadcast_to(x_embed[None, :, :], (h, w, d))
    # row_embed(arange(h)) -> [h, d], unsqueeze(1).repeat(1,w,1) -> [h, w, d]
    y_embed = jnp.take(row_W, jnp.arange(h), axis=0)
    y_embed = jnp.broadcast_to(y_embed[:, None, :], (h, w, d))
    pos = jnp.concatenate([x_embed, y_embed], axis=-1)  # [h, w, 2d]
    pos = jnp.broadcast_to(pos[None, :, :, :], (b, h, w, 2 * d))
    pos = jnp.transpose(pos, (0, 3, 1, 2))  # [b, 2d, h, w]
    return pos

if __name__ == "__main__":
    import jax
    _d = setup_inputs()
    print(jax.jit(kernel)(*tuple(_d.values())))

</pallas_src>

<mosaic_0001>
#map = affine_map<(d0, d1) -> (0, 0)>
#map1 = affine_map<(d0, d1) -> (0, 0, 0, 0)>
module attributes {stable_mosaic.version = 14 : i64} {
  func.func @_pos_kernel(%arg0: i32, %arg1: i32, %arg2: memref<64x384xf32, #tpu.memory_space<hbm>>, %arg3: memref<64x384xf32, #tpu.memory_space<hbm>>, %arg4: memref<8x32x32x768xf32, #tpu.memory_space<hbm>>, %arg5: memref<32x768xf32, #tpu.memory_space<vmem>>, %arg6: memref<1x384xf32, #tpu.memory_space<vmem>>, %arg7: memref<!tpu.dma_semaphore, #tpu.memory_space<semaphore_mem>>, %arg8: memref<!tpu.dma_semaphore, #tpu.memory_space<semaphore_mem>>) attributes {dimension_semantics = [#tpu.dimension_semantics<core_parallel>, #tpu.dimension_semantics<subcore_parallel>], iteration_bounds = array<i64: 2, 16>, scalar_prefetch = 0 : i64, scratch_operands = 4 : i64, tpu.core_type = #tpu.core_type<sc_vector_subcore>, window_params = [{transform_indices = #map}, {transform_indices = #map}, {transform_indices = #map1}]} {
    %mul3A = arith.constant 16 : i32
    %mul3A_0 = arith.muli %arg0, %mul3A : i32
    %add3A = arith.addi %mul3A_0, %arg1 : i32
    %dma_start3A = arith.constant 0 : i32
    %dma_start3A_1 = arith.constant 0 : i32
    %dma_start3A_2 = tpu.memref_slice %arg5[%dma_start3A, %dma_start3A_1] : memref<32x768xf32, #tpu.memory_space<vmem>> -> memref<32x384xf32, #tpu.memory_space<vmem>>
    %dma_start3A_3 = arith.constant 0 : i32
    %dma_start3A_4 = arith.constant 0 : i32
    %dma_start3A_5 = tpu.memref_slice %arg2[%dma_start3A_3, %dma_start3A_4] : memref<64x384xf32, #tpu.memory_space<hbm>> -> memref<32x384xf32, #tpu.memory_space<hbm>>
    %dma_start3A_6 = arith.constant 0 : i32
    %dma_start3A_7 = arith.constant 0 : i32
    %dma_start3A_8 = tpu.memref_slice %arg5[%dma_start3A_6, %dma_start3A_7] : memref<32x768xf32, #tpu.memory_space<vmem>> -> memref<32x384xf32, #tpu.memory_space<vmem>>
    %dma_start3A_9 = arith.constant 0 : i32
    %dma_start3A_10 = arith.constant 0 : i32
    %dma_start3A_11 = tpu.memref_slice %arg2[%dma_start3A_9, %dma_start3A_10] : memref<64x384xf32, #tpu.memory_space<hbm>> -> memref<32x384xf32, #tpu.memory_space<hbm>>
    tpu.enqueue_dma source(%dma_start3A_11 : memref<32x384xf32, #tpu.memory_space<hbm>>) target(%dma_start3A_8 : memref<32x384xf32, #tpu.memory_space<vmem>>) target_semaphore(%arg7 : memref<!tpu.dma_semaphore, #tpu.memory_space<semaphore_mem>>)
    %dma_start3A_12 = arith.constant 0 : i32
    %dma_start3A_13 = tpu.memref_slice %arg3[%add3A, %dma_start3A_12] : memref<64x384xf32, #tpu.memory_space<hbm>> -> memref<1x384xf32, #tpu.memory_space<hbm>>
    %dma_start3A_14 = arith.constant 0 : i32
    %dma_start3A_15 = tpu.memref_slice %arg3[%add3A, %dma_start3A_14] : memref<64x384xf32, #tpu.memory_space<hbm>> -> memref<1x384xf32, #tpu.memory_space<hbm>>
    tpu.enqueue_dma source(%dma_start3A_15 : memref<1x384xf32, #tpu.memory_space<hbm>>) target(%arg6 : memref<1x384xf32, #tpu.memory_space<vmem>>) target_semaphore(%arg8 : memref<!tpu.dma_semaphore, #tpu.memory_space<semaphore_mem>>)
    %dma_wait3A = arith.constant 0 : i32
    %dma_wait3A_16 = tpu.memref_slice %arg3[%add3A, %dma_wait3A] : memref<64x384xf32, #tpu.memory_space<hbm>> -> memref<1x384xf32, #tpu.memory_space<hbm>>
    %dma_wait3A_17 = arith.constant 0 : i32
    %dma_wait3A_18 = tpu.memref_slice %arg3[%add3A, %dma_wait3A_17] : memref<64x384xf32, #tpu.memory_space<hbm>> -> memref<1x384xf32, #tpu.memory_space<hbm>>
    tpu.wait_dma2 semaphore(%arg8 : memref<!tpu.dma_semaphore, #tpu.memory_space<semaphore_mem>>) src(%dma_wait3A_18 : memref<1x384xf32, #tpu.memory_space<hbm>>) dst(%arg6 : memref<1x384xf32, #tpu.memory_space<vmem>>)
    %get3A = arith.constant 0 : i32
    %get3A_19 = arith.index_cast %get3A : i32 to index
    %get3A_20 = arith.constant 0 : index
    %get3A_21 = tpu.vector_load %arg6[%get3A_19, %get3A_20] {strides = array<i32>} : memref<1x384xf32, #tpu.memory_space<vmem>>, vector<16xf32>,
    %get3A_22 = arith.constant 0 : i32
    %get3A_23 = arith.index_cast %get3A_22 : i32 to index
    %get3A_24 = arith.constant 16 : index
    %get3A_25 = tpu.vector_load %arg6[%get3A_23, %get3A_24] {strides = array<i32>} : memref<1x384xf32, #tpu.memory_space<vmem>>, vector<16xf32>,
    %get3A_26 = arith.constant 0 : i32
    %get3A_27 = arith.index_cast %get3A_26 : i32 to index
    %get3A_28 = arith.constant 32 : index
    %get3A_29 = tpu.vector_load %arg6[%get3A_27, %get3A_28] {strides = array<i32>} : memref<1x384xf32, #tpu.memory_space<vmem>>, vector<16xf32>,
    %get3A_30 = arith.constant 0 : i32
    %get3A_31 = arith.index_cast %get3A_30 : i32 to index
    %get3A_32 = arith.constant 48 : index
    %get3A_33 = tpu.vector_load %arg6[%get3A_31, %get3A_32] {strides = array<i32>} : memref<1x384xf32, #tpu.memory_space<vmem>>, vector<16xf32>,
    %get3A_34 = arith.constant 0 : i32
    %get3A_35 = arith.index_cast %get3A_34 : i32 to index
    %get3A_36 = arith.constant 64 : index
    %get3A_37 = tpu.vector_load %arg6[%get3A_35, %get3A_36] {strides = array<i32>} : memref<1x384xf32, #tpu.memory_space<vmem>>, vector<16xf32>,
    %get3A_38 = arith.constant 0 : i32
    %get3A_39 = arith.index_cast %get3A_38 : i32 to index
    %get3A_40 = arith.constant 80 : index
    %get3A_41 = tpu.vector_load %arg6[%get3A_39, %get3A_40] {strides = array<i32>} : memref<1x384xf32, #tpu.memory_space<vmem>>, vector<16xf32>,
    %get3A_42 = arith.constant 0 : i32
    %get3A_43 = arith.index_cast %get3A_42 : i32 to index
    %get3A_44 = arith.constant 96 : index
    %get3A_45 = tpu.vector_load %arg6[%get3A_43, %get3A_44] {strides = array<i32>} : memref<1x384xf32, #tpu.memory_space<vmem>>, vector<16xf32>,
    %get3A_46 = arith.constant 0 : i32
    %get3A_47 = arith.index_cast %get3A_46 : i32 to index
    %get3A_48 = arith.constant 112 : index
    %get3A_49 = tpu.vector_load %arg6[%get3A_47, %get3A_48] {strides = array<i32>} : memref<1x384xf32, #tpu.memory_space<vmem>>, vector<16xf32>,
    %get3A_50 = arith.constant 0 : i32
    %get3A_51 = arith.index_cast %get3A_50 : i32 to index
    %get3A_52 = arith.constant 128 : index
    %get3A_53 = tpu.vector_load %arg6[%get3A_51, %get3A_52] {strides = array<i32>} : memref<1x384xf32, #tpu.memory_space<vmem>>, vector<16xf32>,
    %get3A_54 = arith.constant 0 : i32
    %get3A_55 = arith.index_cast %get3A_54 : i32 to index
    %get3A_56 = arith.constant 144 : index
    %get3A_57 = tpu.vector_load %arg6[%get3A_55, %get3A_56] {strides = array<i32>} : memref<1x384xf32, #tpu.memory_space<vmem>>, vector<16xf32>,
    %get3A_58 = arith.constant 0 : i32
    %get3A_59 = arith.index_cast %get3A_58 : i32 to index
    %get3A_60 = arith.constant 160 : index
    %get3A_61 = tpu.vector_load %arg6[%get3A_59, %get3A_60] {strides = array<i32>} : memref<1x384xf32, #tpu.memory_space<vmem>>, vector<16xf32>,
    %get3A_62 = arith.constant 0 : i32
    %get3A_63 = arith.index_cast %get3A_62 : i32 to index
    %get3A_64 = arith.constant 176 : index
    %get3A_65 = tpu.vector_load %arg6[%get3A_63, %get3A_64] {strides = array<i32>} : memref<1x384xf32, #tpu.memory_space<vmem>>, vector<16xf32>,
    %get3A_66 = arith.constant 0 : i32
    %get3A_67 = arith.index_cast %get3A_66 : i32 to index
    %get3A_68 = arith.constant 192 : index
    %get3A_69 = tpu.vector_load %arg6[%get3A_67, %get3A_68] {strides = array<i32>} : memref<1x384xf32, #tpu.memory_space<vmem>>, vector<16xf32>,
    %get3A_70 = arith.constant 0 : i32
    %get3A_71 = arith.index_cast %get3A_70 : i32 to index
    %get3A_72 = arith.constant 208 : index
    %get3A_73 = tpu.vector_load %arg6[%get3A_71, %get3A_72] {strides = array<i32>} : memref<1x384xf32, #tpu.memory_space<vmem>>, vector<16xf32>,
    %get3A_74 = arith.constant 0 : i32
    %get3A_75 = arith.index_cast %get3A_74 : i32 to index
    %get3A_76 = arith.constant 224 : index
    %get3A_77 = tpu.vector_load %arg6[%get3A_75, %get3A_76] {strides = array<i32>} : memref<1x384xf32, #tpu.memory_space<vmem>>, vector<16xf32>,
    %get3A_78 = arith.constant 0 : i32
    %get3A_79 = arith.index_cast %get3A_78 : i32 to index
    %get3A_80 = arith.constant 240 : index
    %get3A_81 = tpu.vector_load %arg6[%get3A_79, %get3A_80] {strides = array<i32>} : memref<1x384xf32, #tpu.memory_space<vmem>>, vector<16xf32>,
    %get3A_82 = arith.constant 0 : i32
    %get3A_83 = arith.index_cast %get3A_82 : i32 to index
    %get3A_84 = arith.constant 256 : index
    %get3A_85 = tpu.vector_load %arg6[%get3A_83, %get3A_84] {strides = array<i32>} : memref<1x384xf32, #tpu.memory_space<vmem>>, vector<16xf32>,
    %get3A_86 = arith.constant 0 : i32
    %get3A_87 = arith.index_cast %get3A_86 : i32 to index
    %get3A_88 = arith.constant 272 : index
    %get3A_89 = tpu.vector_load %arg6[%get3A_87, %get3A_88] {strides = array<i32>} : memref<1x384xf32, #tpu.memory_space<vmem>>, vector<16xf32>,
    %get3A_90 = arith.constant 0 : i32
    %get3A_91 = arith.index_cast %get3A_90 : i32 to index
    %get3A_92 = arith.constant 288 : index
    %get3A_93 = tpu.vector_load %arg6[%get3A_91, %get3A_92] {strides = array<i32>} : memref<1x384xf32, #tpu.memory_space<vmem>>, vector<16xf32>,
    %get3A_94 = arith.constant 0 : i32
    %get3A_95 = arith.index_cast %get3A_94 : i32 to index
    %get3A_96 = arith.constant 304 : index
    %get3A_97 = tpu.vector_load %arg6[%get3A_95, %get3A_96] {strides = array<i32>} : memref<1x384xf32, #tpu.memory_space<vmem>>, vector<16xf32>,
    %get3A_98 = arith.constant 0 : i32
    %get3A_99 = arith.index_cast %get3A_98 : i32 to index
    %get3A_100 = arith.constant 320 : index
    %get3A_101 = tpu.vector_load %arg6[%get3A_99, %get3A_100] {strides = array<i32>} : memref<1x384xf32, #tpu.memory_space<vmem>>, vector<16xf32>,
    %get3A_102 = arith.constant 0 : i32
    %get3A_103 = arith.index_cast %get3A_102 : i32 to index
    %get3A_104 = arith.constant 336 : index
    %get3A_105 = tpu.vector_load %arg6[%get3A_103, %get3A_104] {strides = array<i32>} : memref<1x384xf32, #tpu.memory_space<vmem>>, vector<16xf32>,
    %get3A_106 = arith.constant 0 : i32
    %get3A_107 = arith.index_cast %get3A_106 : i32 to index
    %get3A_108 = arith.constant 352 : index
    %get3A_109 = tpu.vector_load %arg6[%get3A_107, %get3A_108] {strides = array<i32>} : memref<1x384xf32, #tpu.memory_space<vmem>>, vector<16xf32>,
    %get3A_110 = arith.constant 0 : i32
    %get3A_111 = arith.index_cast %get3A_110 : i32 to index
    %get3A_112 = arith.constant 368 : index
    %get3A_113 = tpu.vector_load %arg6[%get3A_111, %get3A_112] {strides = array<i32>} : memref<1x384xf32, #tpu.memory_space<vmem>>, vector<16xf32>,
    %scan3A = arith.constant 0 : i32
    %scan3A_114 = arith.constant 0 : i32
    %scan3A_115 = arith.constant 32 : i32
    %scan3A_116 = arith.addi %scan3A_114, %scan3A_115 : i32
    %scan3A_117 = arith.constant 1 : i32
    %scan3A_118 = scf.for %scan3A_276 = %scan3A_114 to %scan3A_116 step %scan3A_117 iter_args(%scan3A_277 = %scan3A) -> (i32)  : i32 {
      %swap3A = arith.index_cast %scan3A_276 : i32 to index
      %swap3A_278 = arith.constant 384 : index
      %swap3A_279 = tpu.vector_load %arg5[%swap3A, %swap3A_278] {strides = array<i32>} : memref<32x768xf32, #tpu.memory_space<vmem>>, vector<16xf32>,
      tpu.vector_store %arg5[%swap3A, %swap3A_278], %get3A_21 {strides = array<i32>} : memref<32x768xf32, #tpu.memory_space<vmem>>, vector<16xf32>,
      %swap3A_280 = arith.index_cast %scan3A_276 : i32 to index
      %swap3A_281 = arith.constant 400 : index
      %swap3A_282 = tpu.vector_load %arg5[%swap3A_280, %swap3A_281] {strides = array<i32>} : memref<32x768xf32, #tpu.memory_space<vmem>>, vector<16xf32>,
      tpu.vector_store %arg5[%swap3A_280, %swap3A_281], %get3A_25 {strides = array<i32>} : memref<32x768xf32, #tpu.memory_space<vmem>>, vector<16xf32>,
      %swap3A_283 = arith.index_cast %scan3A_276 : i32 to index
      %swap3A_284 = arith.constant 416 : index
      %swap3A_285 = tpu.vector_load %arg5[%swap3A_283, %swap3A_284] {strides = array<i32>} : memref<32x768xf32, #tpu.memory_space<vmem>>, vector<16xf32>,
      tpu.vector_store %arg5[%swap3A_283, %swap3A_284], %get3A_29 {strides = array<i32>} : memref<32x768xf32, #tpu.memory_space<vmem>>, vector<16xf32>,
      %swap3A_286 = arith.index_cast %scan3A_276 : i32 to index
      %swap3A_287 = arith.constant 432 : index
      %swap3A_288 = tpu.vector_load %arg5[%swap3A_286, %swap3A_287] {strides = array<i32>} : memref<32x768xf32, #tpu.memory_space<vmem>>, vector<16xf32>,
      tpu.vector_store %arg5[%swap3A_286, %swap3A_287], %get3A_33 {strides = array<i32>} : memref<32x768xf32, #tpu.memory_space<vmem>>, vector<16xf32>,
      %swap3A_289 = arith.index_cast %scan3A_276 : i32 to index
      %swap3A_290 = arith.constant 448 : index
      %swap3A_291 = tpu.vector_load %arg5[%swap3A_289, %swap3A_290] {strides = array<i32>} : memref<32x768xf32, #tpu.memory_space<vmem>>, vector<16xf32>,
      tpu.vector_store %arg5[%swap3A_289, %swap3A_290], %get3A_37 {strides = array<i32>} : memref<32x768xf32, #tpu.memory_space<vmem>>, vector<16xf32>,
      %swap3A_292 = arith.index_cast %scan3A_276 : i32 to index
      %swap3A_293 = arith.constant 464 : index
      %swap3A_294 = tpu.vector_load %arg5[%swap3A_292, %swap3A_293] {strides = array<i32>} : memref<32x768xf32, #tpu.memory_space<vmem>>, vector<16xf32>,
      tpu.vector_store %arg5[%swap3A_292, %swap3A_293], %get3A_41 {strides = array<i32>} : memref<32x768xf32, #tpu.memory_space<vmem>>, vector<16xf32>,
      %swap3A_295 = arith.index_cast %scan3A_276 : i32 to index
      %swap3A_296 = arith.constant 480 : index
      %swap3A_297 = tpu.vector_load %arg5[%swap3A_295, %swap3A_296] {strides = array<i32>} : memref<32x768xf32, #tpu.memory_space<vmem>>, vector<16xf32>,
      tpu.vector_store %arg5[%swap3A_295, %swap3A_296], %get3A_45 {strides = array<i32>} : memref<32x768xf32, #tpu.memory_space<vmem>>, vector<16xf32>,
      %swap3A_298 = arith.index_cast %scan3A_276 : i32 to index
      %swap3A_299 = arith.constant 496 : index
      %swap3A_300 = tpu.vector_load %arg5[%swap3A_298, %swap3A_299] {strides = array<i32>} : memref<32x768xf32, #tpu.memory_space<vmem>>, vector<16xf32>,
      tpu.vector_store %arg5[%swap3A_298, %swap3A_299], %get3A_49 {strides = array<i32>} : memref<32x768xf32, #tpu.memory_space<vmem>>, vector<16xf32>,
      %swap3A_301 = arith.index_cast %scan3A_276 : i32 to index
      %swap3A_302 = arith.constant 512 : index
      %swap3A_303 = tpu.vector_load %arg5[%swap3A_301, %swap3A_302] {strides = array<i32>} : memref<32x768xf32, #tpu.memory_space<vmem>>, vector<16xf32>,
      tpu.vector_store %arg5[%swap3A_301, %swap3A_302], %get3A_53 {strides = array<i32>} : memref<32x768xf32, #tpu.memory_space<vmem>>, vector<16xf32>,
      %swap3A_304 = arith.index_cast %scan3A_276 : i32 to index
      %swap3A_305 = arith.constant 528 : index
      %swap3A_306 = tpu.vector_load %arg5[%swap3A_304, %swap3A_305] {strides = array<i32>} : memref<32x768xf32, #tpu.memory_space<vmem>>, vector<16xf32>,
      tpu.vector_store %arg5[%swap3A_304, %swap3A_305], %get3A_57 {strides = array<i32>} : memref<32x768xf32, #tpu.memory_space<vmem>>, vector<16xf32>,
      %swap3A_307 = arith.index_cast %scan3A_276 : i32 to index
      %swap3A_308 = arith.constant 544 : index
      %swap3A_309 = tpu.vector_load %arg5[%swap3A_307, %swap3A_308] {strides = array<i32>} : memref<32x768xf32, #tpu.memory_space<vmem>>, vector<16xf32>,
      tpu.vector_store %arg5[%swap3A_307, %swap3A_308], %get3A_61 {strides = array<i32>} : memref<32x768xf32, #tpu.memory_space<vmem>>, vector<16xf32>,
      %swap3A_310 = arith.index_cast %scan3A_276 : i32 to index
      %swap3A_311 = arith.constant 560 : index
      %swap3A_312 = tpu.vector_load %arg5[%swap3A_310, %swap3A_311] {strides = array<i32>} : memref<32x768xf32, #tpu.memory_space<vmem>>, vector<16xf32>,
      tpu.vector_store %arg5[%swap3A_310, %swap3A_311], %get3A_65 {strides = array<i32>} : memref<32x768xf32, #tpu.memory_space<vmem>>, vector<16xf32>,
      %swap3A_313 = arith.index_cast %scan3A_276 : i32 to index
      %swap3A_314 = arith.constant 576 : index
      %swap3A_315 = tpu.vector_load %arg5[%swap3A_313, %swap3A_314] {strides = array<i32>} : memref<32x768xf32, #tpu.memory_space<vmem>>, vector<16xf32>,
      tpu.vector_store %arg5[%swap3A_313, %swap3A_314], %get3A_69 {strides = array<i32>} : memref<32x768xf32, #tpu.memory_space<vmem>>, vector<16xf32>,
      %swap3A_316 = arith.index_cast %scan3A_276 : i32 to index
      %swap3A_317 = arith.constant 592 : index
      %swap3A_318 = tpu.vector_load %arg5[%swap3A_316, %swap3A_317] {strides = array<i32>} : memref<32x768xf32, #tpu.memory_space<vmem>>, vector<16xf32>,
      tpu.vector_store %arg5[%swap3A_316, %swap3A_317], %get3A_73 {strides = array<i32>} : memref<32x768xf32, #tpu.memory_space<vmem>>, vector<16xf32>,
      %swap3A_319 = arith.index_cast %scan3A_276 : i32 to index
      %swap3A_320 = arith.constant 608 : index
      %swap3A_321 = tpu.vector_load %arg5[%swap3A_319, %swap3A_320] {strides = array<i32>} : memref<32x768xf32, #tpu.memory_space<vmem>>, vector<16xf32>,
      tpu.vector_store %arg5[%swap3A_319, %swap3A_320], %get3A_77 {strides = array<i32>} : memref<32x768xf32, #tpu.memory_space<vmem>>, vector<16xf32>,
      %swap3A_322 = arith.index_cast %scan3A_276 : i32 to index
      %swap3A_323 = arith.constant 624 : index
      %swap3A_324 = tpu.vector_load %arg5[%swap3A_322, %swap3A_323] {strides = array<i32>} : memref<32x768xf32, #tpu.memory_space<vmem>>, vector<16xf32>,
      tpu.vector_store %arg5[%swap3A_322, %swap3A_323], %get3A_81 {strides = array<i32>} : memref<32x768xf32, #tpu.memory_space<vmem>>, vector<16xf32>,
      %swap3A_325 = arith.index_cast %scan3A_276 : i32 to index
      %swap3A_326 = arith.constant 640 : index
      %swap3A_327 = tpu.vector_load %arg5[%swap3A_325, %swap3A_326] {strides = array<i32>} : memref<32x768xf32, #tpu.memory_space<vmem>>, vector<16xf32>,
      tpu.vector_store %arg5[%swap3A_325, %swap3A_326], %get3A_85 {strides = array<i32>} : memref<32x768xf32, #tpu.memory_space<vmem>>, vector<16xf32>,
      %swap3A_328 = arith.index_cast %scan3A_276 : i32 to index
      %swap3A_329 = arith.constant 656 : index
      %swap3A_330 = tpu.vector_load %arg5[%swap3A_328, %swap3A_329] {strides = array<i32>} : memref<32x768xf32, #tpu.memory_space<vmem>>, vector<16xf32>,
      tpu.vector_store %arg5[%swap3A_328, %swap3A_329], %get3A_89 {strides = array<i32>} : memref<32x768xf32, #tpu.memory_space<vmem>>, vector<16xf32>,
      %swap3A_331 = arith.index_cast %scan3A_276 : i32 to index
      %swap3A_332 = arith.constant 672 : index
      %swap3A_333 = tpu.vector_load %arg5[%swap3A_331, %swap3A_332] {strides = array<i32>} : memref<32x768xf32, #tpu.memory_space<vmem>>, vector<16xf32>,
      tpu.vector_store %arg5[%swap3A_331, %swap3A_332], %get3A_93 {strides = array<i32>} : memref<32x768xf32, #tpu.memory_space<vmem>>, vector<16xf32>,
      %swap3A_334 = arith.index_cast %scan3A_276 : i32 to index
      %swap3A_335 = arith.constant 688 : index
      %swap3A_336 = tpu.vector_load %arg5[%swap3A_334, %swap3A_335] {strides = array<i32>} : memref<32x768xf32, #tpu.memory_space<vmem>>, vector<16xf32>,
      tpu.vector_store %arg5[%swap3A_334, %swap3A_335], %get3A_97 {strides = array<i32>} : memref<32x768xf32, #tpu.memory_space<vmem>>, vector<16xf32>,
      %swap3A_337 = arith.index_cast %scan3A_276 : i32 to index
      %swap3A_338 = arith.constant 704 : index
      %swap3A_339 = tpu.vector_load %arg5[%swap3A_337, %swap3A_338] {strides = array<i32>} : memref<32x768xf32, #tpu.memory_space<vmem>>, vector<16xf32>,
      tpu.vector_store %arg5[%swap3A_337, %swap3A_338], %get3A_101 {strides = array<i32>} : memref<32x768xf32, #tpu.memory_space<vmem>>, vector<16xf32>,
      %swap3A_340 = arith.index_cast %scan3A_276 : i32 to index
      %swap3A_341 = arith.constant 720 : index
      %swap3A_342 = tpu.vector_load %arg5[%swap3A_340, %swap3A_341] {strides = array<i32>} : memref<32x768xf32, #tpu.memory_space<vmem>>, vector<16xf32>,
      tpu.vector_store %arg5[%swap3A_340, %swap3A_341], %get3A_105 {strides = array<i32>} : memref<32x768xf32, #tpu.memory_space<vmem>>, vector<16xf32>,
      %swap3A_343 = arith.index_cast %scan3A_276 : i32 to index
      %swap3A_344 = arith.constant 736 : index
      %swap3A_345 = tpu.vector_load %arg5[%swap3A_343, %swap3A_344] {strides = array<i32>} : memref<32x768xf32, #tpu.memory_space<vmem>>, vector<16xf32>,
      tpu.vector_store %arg5[%swap3A_343, %swap3A_344], %get3A_109 {strides = array<i32>} : memref<32x768xf32, #tpu.memory_space<vmem>>, vector<16xf32>,
      %swap3A_346 = arith.index_cast %scan3A_276 : i32 to index
      %swap3A_347 = arith.constant 752 : index
      %swap3A_348 = tpu.vector_load %arg5[%swap3A_346, %swap3A_347] {strides = array<i32>} : memref<32x768xf32, #tpu.memory_space<vmem>>, vector<16xf32>,
      tpu.vector_store %arg5[%swap3A_346, %swap3A_347], %get3A_113 {strides = array<i32>} : memref<32x768xf32, #tpu.memory_space<vmem>>, vector<16xf32>,
      %scan3A_349 = arith.constant 0 : i32
      scf.yield %scan3A_349 : i32
    }
    %scan3A_119 = arith.constant 32 : i32
    %dma_wait3A_120 = arith.constant 0 : i32
    %dma_wait3A_121 = arith.constant 0 : i32
    %dma_wait3A_122 = tpu.memref_slice %arg5[%dma_wait3A_120, %dma_wait3A_121] : memref<32x768xf32, #tpu.memory_space<vmem>> -> memref<32x384xf32, #tpu.memory_space<vmem>>
    %dma_wait3A_123 = arith.constant 0 : i32
    %dma_wait3A_124 = arith.constant 0 : i32
    %dma_wait3A_125 = tpu.memref_slice %arg2[%dma_wait3A_123, %dma_wait3A_124] : memref<64x384xf32, #tpu.memory_space<hbm>> -> memref<32x384xf32, #tpu.memory_space<hbm>>
    %dma_wait3A_126 = arith.constant 0 : i32
    %dma_wait3A_127 = arith.constant 0 : i32
    %dma_wait3A_128 = tpu.memref_slice %arg5[%dma_wait3A_126, %dma_wait3A_127] : memref<32x768xf32, #tpu.memory_space<vmem>> -> memref<32x384xf32, #tpu.memory_space<vmem>>
    %dma_wait3A_129 = arith.constant 0 : i32
    %dma_wait3A_130 = arith.constant 0 : i32
    %dma_wait3A_131 = tpu.memref_slice %arg2[%dma_wait3A_129, %dma_wait3A_130] : memref<64x384xf32, #tpu.memory_space<hbm>> -> memref<32x384xf32, #tpu.memory_space<hbm>>
    tpu.wait_dma2 semaphore(%arg7 : memref<!tpu.dma_semaphore, #tpu.memory_space<semaphore_mem>>) src(%dma_wait3A_131 : memref<32x384xf32, #tpu.memory_space<hbm>>) dst(%dma_wait3A_128 : memref<32x384xf32, #tpu.memory_space<vmem>>)
    %dma_start3A_132 = arith.constant 0 : i32
    %dma_start3A_133 = arith.constant 0 : i32
    %dma_start3A_134 = arith.constant 0 : i32
    %dma_start3A_135 = tpu.memref_slice %arg4[%dma_start3A_132, %add3A, %dma_start3A_133, %dma_start3A_134] : memref<8x32x32x768xf32, #tpu.memory_space<hbm>> -> memref<1x1x32x768xf32, #tpu.memory_space<hbm>>
    %dma_start3A_136 = tpu.memref_squeeze %dma_start3A_135 : memref<1x1x32x768xf32, #tpu.memory_space<hbm>> -> memref<32x768xf32, #tpu.memory_space<hbm>>
    %dma_start3A_137 = arith.constant 0 : i32
    %dma_start3A_138 = arith.constant 0 : i32
    %dma_start3A_139 = tpu.memref_slice %arg4[%dma_start3A_132, %add3A, %dma_start3A_137, %dma_start3A_138] : memref<8x32x32x768xf32, #tpu.memory_space<hbm>> -> memref<1x1x32x768xf32, #tpu.memory_space<hbm>>
    %dma_start3A_140 = tpu.memref_squeeze %dma_start3A_139 : memref<1x1x32x768xf32, #tpu.memory_space<hbm>> -> memref<32x768xf32, #tpu.memory_space<hbm>>
    tpu.enqueue_dma source(%arg5 : memref<32x768xf32, #tpu.memory_space<vmem>>) target(%dma_start3A_140 : memref<32x768xf32, #tpu.memory_space<hbm>>) target_semaphore(%arg7 : memref<!tpu.dma_semaphore, #tpu.memory_space<semaphore_mem>>)
    %dma_start3A_141 = arith.constant 1 : i32
    %dma_start3A_142 = arith.constant 0 : i32
    %dma_start3A_143 = arith.constant 0 : i32
    %dma_start3A_144 = tpu.memref_slice %arg4[%dma_start3A_141, %add3A, %dma_start3A_142, %dma_start3A_143] : memref<8x32x32x768xf32, #tpu.memory_space<hbm>> -> memref<1x1x32x768xf32, #tpu.memory_space<hbm>>
    %dma_start3A_145 = tpu.memref_squeeze %dma_start3A_144 : memref<1x1x32x768xf32, #tpu.memory_space<hbm>> -> memref<32x768xf32, #tpu.memory_space<hbm>>
    %dma_start3A_146 = arith.constant 0 : i32
    %dma_start3A_147 = arith.constant 0 : i32
    %dma_start3A_148 = tpu.memref_slice %arg4[%dma_start3A_141, %add3A, %dma_start3A_146, %dma_start3A_147] : memref<8x32x32x768xf32, #tpu.memory_space<hbm>> -> memref<1x1x32x768xf32, #tpu.memory_space<hbm>>
    %dma_start3A_149 = tpu.memref_squeeze %dma_start3A_148 : memref<1x1x32x768xf32, #tpu.memory_space<hbm>> -> memref<32x768xf32, #tpu.memory_space<hbm>>
    tpu.enqueue_dma source(%arg5 : memref<32x768xf32, #tpu.memory_space<vmem>>) target(%dma_start3A_149 : memref<32x768xf32, #tpu.memory_space<hbm>>) target_semaphore(%arg7 : memref<!tpu.dma_semaphore, #tpu.memory_space<semaphore_mem>>)
    %dma_start3A_150 = arith.constant 2 : i32
    %dma_start3A_151 = arith.constant 0 : i32
    %dma_start3A_152 = arith.constant 0 : i32
    %dma_start3A_153 = tpu.memref_slice %arg4[%dma_start3A_150, %add3A, %dma_start3A_151, %dma_start3A_152] : memref<8x32x32x768xf32, #tpu.memory_space<hbm>> -> memref<1x1x32x768xf32, #tpu.memory_space<hbm>>
    %dma_start3A_154 = tpu.memref_squeeze %dma_start3A_153 : memref<1x1x32x768xf32, #tpu.memory_space<hbm>> -> memref<32x768xf32, #tpu.memory_space<hbm>>
    %dma_start3A_155 = arith.constant 0 : i32
    %dma_start3A_156 = arith.constant 0 : i32
    %dma_start3A_157 = tpu.memref_slice %arg4[%dma_start3A_150, %add3A, %dma_start3A_155, %dma_start3A_156] : memref<8x32x32x768xf32, #tpu.memory_space<hbm>> -> memref<1x1x32x768xf32, #tpu.memory_space<hbm>>
    %dma_start3A_158 = tpu.memref_squeeze %dma_start3A_157 : memref<1x1x32x768xf32, #tpu.memory_space<hbm>> -> memref<32x768xf32, #tpu.memory_space<hbm>>
    tpu.enqueue_dma source(%arg5 : memref<32x768xf32, #tpu.memory_space<vmem>>) target(%dma_start3A_158 : memref<32x768xf32, #tpu.memory_space<hbm>>) target_semaphore(%arg7 : memref<!tpu.dma_semaphore, #tpu.memory_space<semaphore_mem>>)
    %dma_start3A_159 = arith.constant 3 : i32
    %dma_start3A_160 = arith.constant 0 : i32
    %dma_start3A_161 = arith.constant 0 : i32
    %dma_start3A_162 = tpu.memref_slice %arg4[%dma_start3A_159, %add3A, %dma_start3A_160, %dma_start3A_161] : memref<8x32x32x768xf32, #tpu.memory_space<hbm>> -> memref<1x1x32x768xf32, #tpu.memory_space<hbm>>
    %dma_start3A_163 = tpu.memref_squeeze %dma_start3A_162 : memref<1x1x32x768xf32, #tpu.memory_space<hbm>> -> memref<32x768xf32, #tpu.memory_space<hbm>>
    %dma_start3A_164 = arith.constant 0 : i32
    %dma_start3A_165 = arith.constant 0 : i32
    %dma_start3A_166 = tpu.memref_slice %arg4[%dma_start3A_159, %add3A, %dma_start3A_164, %dma_start3A_165] : memref<8x32x32x768xf32, #tpu.memory_space<hbm>> -> memref<1x1x32x768xf32, #tpu.memory_space<hbm>>
    %dma_start3A_167 = tpu.memref_squeeze %dma_start3A_166 : memref<1x1x32x768xf32, #tpu.memory_space<hbm>> -> memref<32x768xf32, #tpu.memory_space<hbm>>
    tpu.enqueue_dma source(%arg5 : memref<32x768xf32, #tpu.memory_space<vmem>>) target(%dma_start3A_167 : memref<32x768xf32, #tpu.memory_space<hbm>>) target_semaphore(%arg7 : memref<!tpu.dma_semaphore, #tpu.memory_space<semaphore_mem>>)
    %dma_start3A_168 = arith.constant 4 : i32
    %dma_start3A_169 = arith.constant 0 : i32
    %dma_start3A_170 = arith.constant 0 : i32
    %dma_start3A_171 = tpu.memref_slice %arg4[%dma_start3A_168, %add3A, %dma_start3A_169, %dma_start3A_170] : memref<8x32x32x768xf32, #tpu.memory_space<hbm>> -> memref<1x1x32x768xf32, #tpu.memory_space<hbm>>
    %dma_start3A_172 = tpu.memref_squeeze %dma_start3A_171 : memref<1x1x32x768xf32, #tpu.memory_space<hbm>> -> memref<32x768xf32, #tpu.memory_space<hbm>>
    %dma_start3A_173 = arith.constant 0 : i32
    %dma_start3A_174 = arith.constant 0 : i32
    %dma_start3A_175 = tpu.memref_slice %arg4[%dma_start3A_168, %add3A, %dma_start3A_173, %dma_start3A_174] : memref<8x32x32x768xf32, #tpu.memory_space<hbm>> -> memref<1x1x32x768xf32, #tpu.memory_space<hbm>>
    %dma_start3A_176 = tpu.memref_squeeze %dma_start3A_175 : memref<1x1x32x768xf32, #tpu.memory_space<hbm>> -> memref<32x768xf32, #tpu.memory_space<hbm>>
    tpu.enqueue_dma source(%arg5 : memref<32x768xf32, #tpu.memory_space<vmem>>) target(%dma_start3A_176 : memref<32x768xf32, #tpu.memory_space<hbm>>) target_semaphore(%arg7 : memref<!tpu.dma_semaphore, #tpu.memory_space<semaphore_mem>>)
    %dma_start3A_177 = arith.constant 5 : i32
    %dma_start3A_178 = arith.constant 0 : i32
    %dma_start3A_179 = arith.constant 0 : i32
    %dma_start3A_180 = tpu.memref_slice %arg4[%dma_start3A_177, %add3A, %dma_start3A_178, %dma_start3A_179] : memref<8x32x32x768xf32, #tpu.memory_space<hbm>> -> memref<1x1x32x768xf32, #tpu.memory_space<hbm>>
    %dma_start3A_181 = tpu.memref_squeeze %dma_start3A_180 : memref<1x1x32x768xf32, #tpu.memory_space<hbm>> -> memref<32x768xf32, #tpu.memory_space<hbm>>
    %dma_start3A_182 = arith.constant 0 : i32
    %dma_start3A_183 = arith.constant 0 : i32
    %dma_start3A_184 = tpu.memref_slice %arg4[%dma_start3A_177, %add3A, %dma_start3A_182, %dma_start3A_183] : memref<8x32x32x768xf32, #tpu.memory_space<hbm>> -> memref<1x1x32x768xf32, #tpu.memory_space<hbm>>
    %dma_start3A_185 = tpu.memref_squeeze %dma_start3A_184 : memref<1x1x32x768xf32, #tpu.memory_space<hbm>> -> memref<32x768xf32, #tpu.memory_space<hbm>>
    tpu.enqueue_dma source(%arg5 : memref<32x768xf32, #tpu.memory_space<vmem>>) target(%dma_start3A_185 : memref<32x768xf32, #tpu.memory_space<hbm>>) target_semaphore(%arg7 : memref<!tpu.dma_semaphore, #tpu.memory_space<semaphore_mem>>)
    %dma_start3A_186 = arith.constant 6 : i32
    %dma_start3A_187 = arith.constant 0 : i32
    %dma_start3A_188 = arith.constant 0 : i32
    %dma_start3A_189 = tpu.memref_slice %arg4[%dma_start3A_186, %add3A, %dma_start3A_187, %dma_start3A_188] : memref<8x32x32x768xf32, #tpu.memory_space<hbm>> -> memref<1x1x32x768xf32, #tpu.memory_space<hbm>>
    %dma_start3A_190 = tpu.memref_squeeze %dma_start3A_189 : memref<1x1x32x768xf32, #tpu.memory_space<hbm>> -> memref<32x768xf32, #tpu.memory_space<hbm>>
    %dma_start3A_191 = arith.constant 0 : i32
    %dma_start3A_192 = arith.constant 0 : i32
    %dma_start3A_193 = tpu.memref_slice %arg4[%dma_start3A_186, %add3A, %dma_start3A_191, %dma_start3A_192] : memref<8x32x32x768xf32, #tpu.memory_space<hbm>> -> memref<1x1x32x768xf32, #tpu.memory_space<hbm>>
    %dma_start3A_194 = tpu.memref_squeeze %dma_start3A_193 : memref<1x1x32x768xf32, #tpu.memory_space<hbm>> -> memref<32x768xf32, #tpu.memory_space<hbm>>
    tpu.enqueue_dma source(%arg5 : memref<32x768xf32, #tpu.memory_space<vmem>>) target(%dma_start3A_194 : memref<32x768xf32, #tpu.memory_space<hbm>>) target_semaphore(%arg7 : memref<!tpu.dma_semaphore, #tpu.memory_space<semaphore_mem>>)
    %dma_start3A_195 = arith.constant 7 : i32
    %dma_start3A_196 = arith.constant 0 : i32
    %dma_start3A_197 = arith.constant 0 : i32
    %dma_start3A_198 = tpu.memref_slice %arg4[%dma_start3A_195, %add3A, %dma_start3A_196, %dma_start3A_197] : memref<8x32x32x768xf32, #tpu.memory_space<hbm>> -> memref<1x1x32x768xf32, #tpu.memory_space<hbm>>
    %dma_start3A_199 = tpu.memref_squeeze %dma_start3A_198 : memref<1x1x32x768xf32, #tpu.memory_space<hbm>> -> memref<32x768xf32, #tpu.memory_space<hbm>>
    %dma_start3A_200 = arith.constant 0 : i32
    %dma_start3A_201 = arith.constant 0 : i32
    %dma_start3A_202 = tpu.memref_slice %arg4[%dma_start3A_195, %add3A, %dma_start3A_200, %dma_start3A_201] : memref<8x32x32x768xf32, #tpu.memory_space<hbm>> -> memref<1x1x32x768xf32, #tpu.memory_space<hbm>>
    %dma_start3A_203 = tpu.memref_squeeze %dma_start3A_202 : memref<1x1x32x768xf32, #tpu.memory_space<hbm>> -> memref<32x768xf32, #tpu.memory_space<hbm>>
    tpu.enqueue_dma source(%arg5 : memref<32x768xf32, #tpu.memory_space<vmem>>) target(%dma_start3A_203 : memref<32x768xf32, #tpu.memory_space<hbm>>) target_semaphore(%arg7 : memref<!tpu.dma_semaphore, #tpu.memory_space<semaphore_mem>>)
    %dma_wait3A_204 = arith.constant 0 : i32
    %dma_wait3A_205 = arith.constant 0 : i32
    %dma_wait3A_206 = arith.constant 0 : i32
    %dma_wait3A_207 = tpu.memref_slice %arg4[%dma_wait3A_204, %add3A, %dma_wait3A_205, %dma_wait3A_206] : memref<8x32x32x768xf32, #tpu.memory_space<hbm>> -> memref<1x1x32x768xf32, #tpu.memory_space<hbm>>
    %dma_wait3A_208 = tpu.memref_squeeze %dma_wait3A_207 : memref<1x1x32x768xf32, #tpu.memory_space<hbm>> -> memref<32x768xf32, #tpu.memory_space<hbm>>
    %dma_wait3A_209 = arith.constant 0 : i32
    %dma_wait3A_210 = arith.constant 0 : i32
    %dma_wait3A_211 = tpu.memref_slice %arg4[%dma_wait3A_204, %add3A, %dma_wait3A_209, %dma_wait3A_210] : memref<8x32x32x768xf32, #tpu.memory_space<hbm>> -> memref<1x1x32x768xf32, #tpu.memory_space<hbm>>
    %dma_wait3A_212 = tpu.memref_squeeze %dma_wait3A_211 : memref<1x1x32x768xf32, #tpu.memory_space<hbm>> -> memref<32x768xf32, #tpu.memory_space<hbm>>
    tpu.wait_dma2 semaphore(%arg7 : memref<!tpu.dma_semaphore, #tpu.memory_space<semaphore_mem>>) src(%arg5 : memref<32x768xf32, #tpu.memory_space<vmem>>) dst(%dma_wait3A_212 : memref<32x768xf32, #tpu.memory_space<hbm>>)
    %dma_wait3A_213 = arith.constant 1 : i32
    %dma_wait3A_214 = arith.constant 0 : i32
    %dma_wait3A_215 = arith.constant 0 : i32
    %dma_wait3A_216 = tpu.memref_slice %arg4[%dma_wait3A_213, %add3A, %dma_wait3A_214, %dma_wait3A_215] : memref<8x32x32x768xf32, #tpu.memory_space<hbm>> -> memref<1x1x32x768xf32, #tpu.memory_space<hbm>>
    %dma_wait3A_217 = tpu.memref_squeeze %dma_wait3A_216 : memref<1x1x32x768xf32, #tpu.memory_space<hbm>> -> memref<32x768xf32, #tpu.memory_space<hbm>>
    %dma_wait3A_218 = arith.constant 0 : i32
    %dma_wait3A_219 = arith.constant 0 : i32
    %dma_wait3A_220 = tpu.memref_slice %arg4[%dma_wait3A_213, %add3A, %dma_wait3A_218, %dma_wait3A_219] : memref<8x32x32x768xf32, #tpu.memory_space<hbm>> -> memref<1x1x32x768xf32, #tpu.memory_space<hbm>>
    %dma_wait3A_221 = tpu.memref_squeeze %dma_wait3A_220 : memref<1x1x32x768xf32, #tpu.memory_space<hbm>> -> memref<32x768xf32, #tpu.memory_space<hbm>>
    tpu.wait_dma2 semaphore(%arg7 : memref<!tpu.dma_semaphore, #tpu.memory_space<semaphore_mem>>) src(%arg5 : memref<32x768xf32, #tpu.memory_space<vmem>>) dst(%dma_wait3A_221 : memref<32x768xf32, #tpu.memory_space<hbm>>)
    %dma_wait3A_222 = arith.constant 2 : i32
    %dma_wait3A_223 = arith.constant 0 : i32
    %dma_wait3A_224 = arith.constant 0 : i32
    %dma_wait3A_225 = tpu.memref_slice %arg4[%dma_wait3A_222, %add3A, %dma_wait3A_223, %dma_wait3A_224] : memref<8x32x32x768xf32, #tpu.memory_space<hbm>> -> memref<1x1x32x768xf32, #tpu.memory_space<hbm>>
    %dma_wait3A_226 = tpu.memref_squeeze %dma_wait3A_225 : memref<1x1x32x768xf32, #tpu.memory_space<hbm>> -> memref<32x768xf32, #tpu.memory_space<hbm>>
    %dma_wait3A_227 = arith.constant 0 : i32
    %dma_wait3A_228 = arith.constant 0 : i32
    %dma_wait3A_229 = tpu.memref_slice %arg4[%dma_wait3A_222, %add3A, %dma_wait3A_227, %dma_wait3A_228] : memref<8x32x32x768xf32, #tpu.memory_space<hbm>> -> memref<1x1x32x768xf32, #tpu.memory_space<hbm>>
    %dma_wait3A_230 = tpu.memref_squeeze %dma_wait3A_229 : memref<1x1x32x768xf32, #tpu.memory_space<hbm>> -> memref<32x768xf32, #tpu.memory_space<hbm>>
    tpu.wait_dma2 semaphore(%arg7 : memref<!tpu.dma_semaphore, #tpu.memory_space<semaphore_mem>>) src(%arg5 : memref<32x768xf32, #tpu.memory_space<vmem>>) dst(%dma_wait3A_230 : memref<32x768xf32, #tpu.memory_space<hbm>>)
    %dma_wait3A_231 = arith.constant 3 : i32
    %dma_wait3A_232 = arith.constant 0 : i32
    %dma_wait3A_233 = arith.constant 0 : i32
    %dma_wait3A_234 = tpu.memref_slice %arg4[%dma_wait3A_231, %add3A, %dma_wait3A_232, %dma_wait3A_233] : memref<8x32x32x768xf32, #tpu.memory_space<hbm>> -> memref<1x1x32x768xf32, #tpu.memory_space<hbm>>
    %dma_wait3A_235 = tpu.memref_squeeze %dma_wait3A_234 : memref<1x1x32x768xf32, #tpu.memory_space<hbm>> -> memref<32x768xf32, #tpu.memory_space<hbm>>
    %dma_wait3A_236 = arith.constant 0 : i32
    %dma_wait3A_237 = arith.constant 0 : i32
    %dma_wait3A_238 = tpu.memref_slice %arg4[%dma_wait3A_231, %add3A, %dma_wait3A_236, %dma_wait3A_237] : memref<8x32x32x768xf32, #tpu.memory_space<hbm>> -> memref<1x1x32x768xf32, #tpu.memory_space<hbm>>
    %dma_wait3A_239 = tpu.memref_squeeze %dma_wait3A_238 : memref<1x1x32x768xf32, #tpu.memory_space<hbm>> -> memref<32x768xf32, #tpu.memory_space<hbm>>
    tpu.wait_dma2 semaphore(%arg7 : memref<!tpu.dma_semaphore, #tpu.memory_space<semaphore_mem>>) src(%arg5 : memref<32x768xf32, #tpu.memory_space<vmem>>) dst(%dma_wait3A_239 : memref<32x768xf32, #tpu.memory_space<hbm>>)
    %dma_wait3A_240 = arith.constant 4 : i32
    %dma_wait3A_241 = arith.constant 0 : i32
    %dma_wait3A_242 = arith.constant 0 : i32
    %dma_wait3A_243 = tpu.memref_slice %arg4[%dma_wait3A_240, %add3A, %dma_wait3A_241, %dma_wait3A_242] : memref<8x32x32x768xf32, #tpu.memory_space<hbm>> -> memref<1x1x32x768xf32, #tpu.memory_space<hbm>>
    %dma_wait3A_244 = tpu.memref_squeeze %dma_wait3A_243 : memref<1x1x32x768xf32, #tpu.memory_space<hbm>> -> memref<32x768xf32, #tpu.memory_space<hbm>>
    %dma_wait3A_245 = arith.constant 0 : i32
    %dma_wait3A_246 = arith.constant 0 : i32
    %dma_wait3A_247 = tpu.memref_slice %arg4[%dma_wait3A_240, %add3A, %dma_wait3A_245, %dma_wait3A_246] : memref<8x32x32x768xf32, #tpu.memory_space<hbm>> -> memref<1x1x32x768xf32, #tpu.memory_space<hbm>>
    %dma_wait3A_248 = tpu.memref_squeeze %dma_wait3A_247 : memref<1x1x32x768xf32, #tpu.memory_space<hbm>> -> memref<32x768xf32, #tpu.memory_space<hbm>>
    tpu.wait_dma2 semaphore(%arg7 : memref<!tpu.dma_semaphore, #tpu.memory_space<semaphore_mem>>) src(%arg5 : memref<32x768xf32, #tpu.memory_space<vmem>>) dst(%dma_wait3A_248 : memref<32x768xf32, #tpu.memory_space<hbm>>)
    %dma_wait3A_249 = arith.constant 5 : i32
    %dma_wait3A_250 = arith.constant 0 : i32
    %dma_wait3A_251 = arith.constant 0 : i32
    %dma_wait3A_252 = tpu.memref_slice %arg4[%dma_wait3A_249, %add3A, %dma_wait3A_250, %dma_wait3A_251] : memref<8x32x32x768xf32, #tpu.memory_space<hbm>> -> memref<1x1x32x768xf32, #tpu.memory_space<hbm>>
    %dma_wait3A_253 = tpu.memref_squeeze %dma_wait3A_252 : memref<1x1x32x768xf32, #tpu.memory_space<hbm>> -> memref<32x768xf32, #tpu.memory_space<hbm>>
    %dma_wait3A_254 = arith.constant 0 : i32
    %dma_wait3A_255 = arith.constant 0 : i32
    %dma_wait3A_256 = tpu.memref_slice %arg4[%dma_wait3A_249, %add3A, %dma_wait3A_254, %dma_wait3A_255] : memref<8x32x32x768xf32, #tpu.memory_space<hbm>> -> memref<1x1x32x768xf32, #tpu.memory_space<hbm>>
    %dma_wait3A_257 = tpu.memref_squeeze %dma_wait3A_256 : memref<1x1x32x768xf32, #tpu.memory_space<hbm>> -> memref<32x768xf32, #tpu.memory_space<hbm>>
    tpu.wait_dma2 semaphore(%arg7 : memref<!tpu.dma_semaphore, #tpu.memory_space<semaphore_mem>>) src(%arg5 : memref<32x768xf32, #tpu.memory_space<vmem>>) dst(%dma_wait3A_257 : memref<32x768xf32, #tpu.memory_space<hbm>>)
    %dma_wait3A_258 = arith.constant 6 : i32
    %dma_wait3A_259 = arith.constant 0 : i32
    %dma_wait3A_260 = arith.constant 0 : i32
    %dma_wait3A_261 = tpu.memref_slice %arg4[%dma_wait3A_258, %add3A, %dma_wait3A_259, %dma_wait3A_260] : memref<8x32x32x768xf32, #tpu.memory_space<hbm>> -> memref<1x1x32x768xf32, #tpu.memory_space<hbm>>
    %dma_wait3A_262 = tpu.memref_squeeze %dma_wait3A_261 : memref<1x1x32x768xf32, #tpu.memory_space<hbm>> -> memref<32x768xf32, #tpu.memory_space<hbm>>
    %dma_wait3A_263 = arith.constant 0 : i32
    %dma_wait3A_264 = arith.constant 0 : i32
    %dma_wait3A_265 = tpu.memref_slice %arg4[%dma_wait3A_258, %add3A, %dma_wait3A_263, %dma_wait3A_264] : memref<8x32x32x768xf32, #tpu.memory_space<hbm>> -> memref<1x1x32x768xf32, #tpu.memory_space<hbm>>
    %dma_wait3A_266 = tpu.memref_squeeze %dma_wait3A_265 : memref<1x1x32x768xf32, #tpu.memory_space<hbm>> -> memref<32x768xf32, #tpu.memory_space<hbm>>
    tpu.wait_dma2 semaphore(%arg7 : memref<!tpu.dma_semaphore, #tpu.memory_space<semaphore_mem>>) src(%arg5 : memref<32x768xf32, #tpu.memory_space<vmem>>) dst(%dma_wait3A_266 : memref<32x768xf32, #tpu.memory_space<hbm>>)
    %dma_wait3A_267 = arith.constant 7 : i32
    %dma_wait3A_268 = arith.constant 0 : i32
    %dma_wait3A_269 = arith.constant 0 : i32
    %dma_wait3A_270 = tpu.memref_slice %arg4[%dma_wait3A_267, %add3A, %dma_wait3A_268, %dma_wait3A_269] : memref<8x32x32x768xf32, #tpu.memory_space<hbm>> -> memref<1x1x32x768xf32, #tpu.memory_space<hbm>>
    %dma_wait3A_271 = tpu.memref_squeeze %dma_wait3A_270 : memref<1x1x32x768xf32, #tpu.memory_space<hbm>> -> memref<32x768xf32, #tpu.memory_space<hbm>>
    %dma_wait3A_272 = arith.constant 0 : i32
    %dma_wait3A_273 = arith.constant 0 : i32
    %dma_wait3A_274 = tpu.memref_slice %arg4[%dma_wait3A_267, %add3A, %dma_wait3A_272, %dma_wait3A_273] : memref<8x32x32x768xf32, #tpu.memory_space<hbm>> -> memref<1x1x32x768xf32, #tpu.memory_space<hbm>>
    %dma_wait3A_275 = tpu.memref_squeeze %dma_wait3A_274 : memref<1x1x32x768xf32, #tpu.memory_space<hbm>> -> memref<32x768xf32, #tpu.memory_space<hbm>>
    tpu.wait_dma2 semaphore(%arg7 : memref<!tpu.dma_semaphore, #tpu.memory_space<semaphore_mem>>) src(%arg5 : memref<32x768xf32, #tpu.memory_space<vmem>>) dst(%dma_wait3A_275 : memref<32x768xf32, #tpu.memory_space<hbm>>)
    return
  }
}

</mosaic_0001>

<sc_bundles>
// kernel: kernel.3.cloned.1.call-start
scs
__scs_entry_jumppad:
0x0: {  	(pc) =	sbr.rel $0x88, $3  }
0x1: {  	(tag) =	ssettag $0x0;
	lr =	simm.s32 $0x1  }
0x2: {  	[smem:$0x3F9F] =	sst lr;
	_ =	strace $0xD0000000  }
0x3: {  	_ = 	snop  }
0x4: {  	_ = 	snop  }
0x5: {  	_ = 	snop  }
0x6: {  	_ = 	snop  }
0x7: {  	_ = 	snop  }
__scs_overlays_trampoline_lowered:
0x8: {  	[smem:$0x3FAE] =	sst s0  }
0x9: {  	[smem:$0x3FAF] =	sst s1  }
0xa: {  	[smem:$0x3FB0] =	sst s2  }
0xb: {  	[smem:$0x3FB1] =	sst s3  }
0xc: {  	[smem:$0x3FB2] =	sst s4  }
0xd: {  	[smem:$0x3FB3] =	sst s5  }
0xe: {  	[smem:$0x3FB4] =	sst s6  }
0xf: {  	[smem:$0x3FB5] =	sst s7  }
0x10: {  	[smem:$0x3FB6] =	sst s8  }
0x11: {  	[smem:$0x3FB7] =	sst s9;
	s0 =	simm.s32 @!p0 $0x0  }
0x12: {  	s1 =	sld [smem:$0x3F9D];
	s0 =	simm.s32 @p0 $0x1  }
0x13: {  	[smem:$0x3FB8] =	sst s0;
	s0 =	simm.s32 @!p1 $0x0  }
0x14: {  	s2 =	sld [smem:$0x3F9C];
	s0 =	simm.s32 @p1 $0x1  }
0x15: {  	[smem:$0x3FB9] =	sst s0;
	s0 =	simm.s32 @!p2 $0x0  }
0x16: {  	s3 =	sld [smem:$0x3FDB];
	s0 =	simm.s32 @p2 $0x1  }
0x17: {  	s4 =	simm.s32 $0x1BF5;
	[smem:$0x3FBB] =	sst s0  }
0x18: {  	s0 =	sld [smem:$0x3F9E];
	_ =	swait.ge [sflag:s4], $0x0  }
0x19: {  	s7 =	sld [smem:$0x3F9F]  }
0x1a: {  	s8 =	sadd.s32 $0xFFFFE003, lr  }
0x1b: {  	s9 =	sadd.s32 $0xFFFFFEF7, lr;
	s5 =	simm.s32 $0xFFFFFFFF;
	p2 =	slt.u32 s8, $0xFFFFF086  }
0x1c: {  	p1 =	slt.u32 s9, $0xF7A;
	s5 =	simm.s32 @!p2 $0x0  }
0x1d: {  	s5 =	simm.s32 @p1 $0x1;
	p0 =	seq.s32 s7, s2  }
0x1e: {  	s7 =	smul.u32 @!p0 $0xF7A, s2;
	p2 =	seq.s32 @!p0 s5, $0x0  }
0x1f: {  	s9 =	smul.u32 $0xF7A, s1;
	s8 =	simm.s32 @!p0 $0x1BF5;
	p2 =	por !p2, p0  }
0x20: {  	[sflag:s8] =	ssyncset.s32 @!p0 $0xFFFFF086;
	s6 =	sadd.s32 @!p0 s3, s7;
	s7 =	simm.s32 @!p0 $0x108  }
0x21: {  	s3 =	sadd.s32 s3, s9;
	s6 =	sadd.s32 @!p0 $0x88, s6;
	s7 =	simm.s32 @p2 $0x1082  }
0x22: {  	[simem:s7], [sflag:s8] =	dma.local @!p0 [hbm:s6], $0xF7A  }
0x23: {  	s9 =	sor.u32 $0xD0000000, s2;
	s6 =	simm.s32 $0x108;
	_ =	swait.ge @!p0 [sflag:s8], $0x0  }
0x24: {  	s3 =	sadd.s32 $0x88, s3;
	s6 =	simm.s32 @!p1 $0x1082;
	[sflag:s4] =	ssyncset.s32 $0xFFFFF086  }
0x25: {  	[simem:s6], [sflag:s4] =	dma.local [hbm:s3], $0xF7A  }
0x26: {  	[smem:$0x3F9F] =	sst s1;
	(tag) =	ssettag s2;
	_ =	strace s9  }
0x27: {  	s1 =	sld [smem:$0x3FAF]  }
0x28: {  	s2 =	sld [smem:$0x3FB0]  }
0x29: {  	s4 =	sld [smem:$0x3FB2]  }
0x2a: {  	p0 =	seq.s32 s5, $0x0;
	s5 =	sld [smem:$0x3FB3]  }
0x2b: {  	s6 =	sld [smem:$0x3FB4]  }
0x2c: {  	s7 =	sld [smem:$0x3FB5]  }
0x2d: {  	s3 =	simm.s32 $0x108;
	s8 =	sld [smem:$0x3FB6]  }
0x2e: {  	s3 =	simm.s32 @!p0 $0x1082;
	s9 =	sld [smem:$0x3FB7]  }
0x2f: {  	lr =	sadd.s32 s0, s3;
	s0 =	sld [smem:$0x3FAE]  }
0x30: {  	s3 =	sld [smem:$0x3FB1]  }
0x31: {  	[smem:$0x3FBA] =	sst s10  }
0x32: {  	s10 =	sld [smem:$0x3FB8];
	_ =	sdelay $0x3  }
0x33: {  	p0 =	seq.s32 s10, $0x1;
	s10 =	sld [smem:$0x3FBA];
	_ =	sdelay $0x3  }
0x34: {  	[smem:$0x3FBA] =	sst s10  }
0x35: {  	s10 =	sld [smem:$0x3FB9];
	_ =	sdelay $0x3  }
0x36: {  	p1 =	seq.s32 s10, $0x1;
	s10 =	sld [smem:$0x3FBA];
	_ =	sdelay $0x3  }
0x37: {  	[smem:$0x3FBA] =	sst s10  }
0x38: {  	s10 =	sld [smem:$0x3FBB]  }
0x39: {  	_ = 	snop;
	(pc) =	sbr.ind lr, $3  }
0x3a: {  	_ = 	snop  }
0x3b: {  	_ = 	snop  }
0x3c: {  	p2 =	seq.s32 s10, $0x1;
	s10 =	sld [smem:$0x3FBA]  }
0x3d: {  	_ =	shalt  }
0x3e: {  	_ =	shalt  }
0x3f: {  	_ =	shalt  }
0x40: {  	_ =	shalt  }
0x41: {  	_ =	shalt  }
0x42: {  	_ =	shalt  }
0x43: {  	_ =	shalt  }
0x44: {  	_ =	shalt  }
0x45: {  	_ =	shalt  }
0x46: {  	_ =	shalt  }
0x47: {  	_ =	shalt  }
0x48: {  	_ =	shalt  }
0x49: {  	_ =	shalt  }
0x4a: {  	_ =	shalt  }
0x4b: {  	_ =	shalt  }
0x4c: {  	_ =	shalt  }
0x4d: {  	_ =	shalt  }
0x4e: {  	_ =	shalt  }
0x4f: {  	_ =	shalt  }
0x50: {  	_ =	shalt  }
0x51: {  	_ =	shalt  }
0x52: {  	_ =	shalt  }
0x53: {  	_ =	shalt  }
0x54: {  	_ =	shalt  }
0x55: {  	_ =	shalt  }
0x56: {  	_ =	shalt  }
0x57: {  	_ =	shalt  }
0x58: {  	_ =	shalt  }
0x59: {  	_ =	shalt  }
0x5a: {  	_ =	shalt  }
0x5b: {  	_ =	shalt  }
0x5c: {  	_ =	shalt  }
0x5d: {  	_ =	shalt  }
0x5e: {  	_ =	shalt  }
0x5f: {  	_ =	shalt  }
0x60: {  	_ =	shalt  }
0x61: {  	_ =	shalt  }
0x62: {  	_ =	shalt  }
0x63: {  	_ =	shalt  }
0x64: {  	_ =	shalt  }
0x65: {  	_ =	shalt  }
0x66: {  	_ =	shalt  }
0x67: {  	_ =	shalt  }
0x68: {  	_ =	shalt  }
0x69: {  	_ =	shalt  }
0x6a: {  	_ =	shalt  }
0x6b: {  	_ =	shalt  }
0x6c: {  	_ =	shalt  }
0x6d: {  	_ =	shalt  }
0x6e: {  	_ =	shalt  }
0x6f: {  	_ =	shalt  }
0x70: {  	_ =	shalt  }
0x71: {  	_ =	shalt  }
0x72: {  	_ =	shalt  }
0x73: {  	_ =	shalt  }
0x74: {  	_ =	shalt  }
0x75: {  	_ =	shalt  }
0x76: {  	_ =	shalt  }
0x77: {  	_ =	shalt  }
0x78: {  	_ =	shalt  }
0x79: {  	_ =	shalt  }
0x7a: {  	_ =	shalt  }
0x7b: {  	_ =	shalt  }
0x7c: {  	_ =	shalt  }
0x7d: {  	_ =	shalt  }
0x7e: {  	_ =	shalt  }
0x7f: {  	_ =	shalt  }
0x80: {  	_ =	shalt  }
0x81: {  	_ =	shalt  }
0x82: {  	_ =	shalt  }
0x83: {  	_ =	shalt  }
0x84: {  	_ =	shalt  }
0x85: {  	_ =	shalt  }
0x86: {  	_ =	shalt  }
0x87: {  	_ =	shalt  }
.Lfunc_end0:
.L_simem_size_0:
called_computation_lowered:
.L_overlay_start_0:
0x88: {  	s2 =	sld [smem:$0x3FD9]  }
0x89: {  	s3 =	sld [smem:$0x3FFE];
	_ =	sdelay $0x1  }
0x8a: {  	s1 =	srdreg.scid  }
0x8b: {  	s0 =	sand.u32 $0x1, s1  }
0x8c: {  	s18 =	sshll.u32 s0, $0xA;
	s2 =	sadd.s32 s3, s2  }
0x8d: {  	s2 =	sadd.s32 s2, s18  }
0x8e: {  	[smem:$0x3FC6] =	sst s2  }
0x8f: {  	_ = 	snop  }
0x90: {  	s2 =	sld [smem:$0x3FC9]  }
0x91: {  	s19 =	sld [smem:$0x3FC8]  }
0x92: {  	s4 =	sld [smem:$0x3FD0];
	(tm) =	ssettm $0x1  }
0x93: {  	s5 =	sld [smem:$0x3FFB];
	_ =	sdelay $0x3  }
0x94: {  	_ =	strace s5  }
0x95: {  	s5 =	sld [smem:$0x3FFC];
	_ =	sdelay $0x3  }
0x96: {  	_ =	strace s5  }
0x97: {  	s5 =	sld [smem:$0x3FFD];
	_ =	sdelay $0x3  }
0x98: {  	_ =	strace s5  }
0x99: {  	_ =	strace $0x8FFFFFFF  }
0x9a: {  	s20 =	sld [smem:$0x3FDB];
	_ =	sdelay $0x1  }
0x9b: {  	s6 =	simm.s32 $_scs_section_size  }
0x9c: {  	s7 =	simm.s32 $_size__tile_overlayer_lowered;
	s8 =	simm.s32 $_tile_overlayer_lowered  }
0x9d: {  	s23 =	simm.s32 $0x1BFF;
	s22 =	sshll.u32 s8, $0x1;
	s5 =	sadd.s32 s6, s20  }
0x9e: {  	s9 =	simm.s32 $0x0;
	s21 =	sshll.u32 s7, $0x1;
	s7 =	sadd.s32 s22, s5  }
0x9f: {  	[timem:s9], [sflag:s23] =	dma.local [hbm:s7], s21  }
0xa0: {  	_ =	swait.ge [sflag:s23], s21  }
0xa1: {  	s6 =	ssub.s32 $0x0, s21;
	[sflag:s23] =	ssyncset.done $0x0  }
0xa2: {  	[sflag:s23] =	ssyncadd.s32 s6;
	_ =	sdelay $0x1  }
0xa3: {  	s24 =	simm.s32 $0x1B8B  }
0xa4: {  	_ =	swait.ge [sflag:s24], $0x1  }
0xa5: {  	[sflag:s24] =	ssyncset.done $0x0  }
0xa6: {  	s25 =	simm.s32 $0x1B8E;
	[sflag:s24] =	ssyncadd.s32 $0xFFFFFFFF  }
0xa7: {  	s26 =	simm.s32 $execute0_lowered;
	[smem:$0x3FD2] =	sst s25  }
0xa8: {  	s6 =	sshll.u32 s26, $0x1;
	_ =	strace $0x80000046;
	[dreg:$0x1] =	wrdreg $0xFFFFFFFF  }
0xa9: {  	s28 =	simm.s32 $_size_execute0_lowered;
	s5 =	sadd.s32 s5, s6;
	[dreg:$0x0] =	wrdreg $0x0  }
0xaa: {  	s6 =	sshll.u32 s28, $0x1;
	[dreg:$0x2] =	wrdreg s5  }
0xab: {  	[dreg:$0x3] =	wrdreg s6  }
0xac: {  	[dreg:$0x4] =	wrdreg $0xC0  }
0xad: {  	_ =	task [dreg:s9], $0x5FFFF  }
0xae: {  	[dreg:$0x1] =	wrdreg $0xFFFFFFFF  }
0xaf: {  	[dreg:$0x0] =	wrdreg $0x60  }
0xb0: {  	[dreg:$0x2] =	wrdreg s2  }
0xb1: {  	[dreg:$0x3] =	wrdreg s19  }
0xb2: {  	[dreg:$0x4] =	wrdreg s4  }
0xb3: {  	[dreg:$0x5] =	wrdreg $0x9  }
0xb4: {  	_ =	task.clear_ibuf [dreg:s9], $0x6FFFF;
	_ =	strace $0x90000046  }
0xb5: {  	s29 =	simm.s32 $0x9;
	_ =	strace $0x80000048  }
0xb6: {  	_ =	swait.ge [sflag:s29], $0x1  }
0xb7: {  	[sflag:s29] =	ssyncadd.s32 $0xFFFFFFFF  }
0xb8: {  	_ =	strace $0x90000048  }
0xb9: {  	_ =	sfence  }
0xba: {  	s30 =	sld [smem:$0x0];
	_ =	sdelay $0x2  }
0xbb: {  	s31 =	sshll.u32 s1, $0xD;
	s1 =	sshrl.u32 s1, $0x2  }
0xbc: {  	s3 =	sand.u32 $0x4000, s31;
	s1 =	sadd.s32 s1, s30  }
0xbd: {  	s0 =	sor.u32 s3, s0;
	s1 =	sshll.u32 s1, $0x11  }
0xbe: {  	s0 =	sor.u32 s1, s0  }
0xbf: {  	s0 =	sadd.s32 $0x8F2B, s0  }
0xc0: {  	[sflag:s0] =	ssyncadd.remote.s32 $0x1  }
0xc1: {  	_ =	sfence.sel $0xFFFF  }
0xc2: {  	[dreg:$0x0] =	wrdreg $0xFFFFFFFF;
	(pc) =	sbr.abs _section_cstart, $3  }
0xc3: {  	[dreg:$0x1] =	wrdreg $0xFFFFFFFF  }
0xc4: {  	_ =	task.clear_ibuf [dreg:s9], $0x2FFFF;
	_ =	strace $0x9FFFFFFF  }
0xc5: {  	(tm) =	ssettm $0x7FFFFFFF  }
tec
execute0_lowered:
.L_overlay_start_1:
0x0: {  	(tag) =	ssettag $0x1  }
0x1: {  	s1 =	rddreg [dreg:$0x0]  }
0x2: {  	s0 =	srdreg.scid;
	s5 =	rddreg [dreg:$0x1]  }
0x3: {  	s7 =	rddreg [dreg:$0x2];
	s3 =	simm.s32 $0x0;
	s17 =	simm.s32 $0x1800  }
0x4: {  	s18 =	simm.s32 $0x3000;
	s19 =	simm.s32 $0x4800;
	s20 =	simm.s32 $0x80  }
0x5: {  	s21 =	simm.s32 $0x400;
	s22 =	simm.s32 $0x6000;
	s23 =	simm.s32 $0x2  }
0x6: {  	s24 =	simm.s32 $0x1;
	s25 =	simm.s32 $0x0;
	s4 =	sand.u32 $0x1, s0  }
0x7: {  	s0 =	stileid.u32;
	[smem:$0x7FF] =	sst s3;
	s14 =	sadd.s32 $0x180, s1  }
0x8: {  	s15 =	sadd.s32 $0x300, s1;
	s16 =	sadd.s32 $0x480, s1;
	s2 =	sshll.u32 s4, $0x4  }
0x9: {  	s9 =	sshll.u32 s0, $0x7;
	s4 =	ssub.s32 $0x2, s4;
	s6 =	sor.u32 s0, s2  }
0xa: {  	s2 =	rddreg [dreg:$0x3];
	s8 =	sshrl.u32 s6, $0x3;
	s6 =	smul.u32 $0x6000, s6  }
0xb: {  	_ =	strace $0x80000047;
	s10 =	sshrl.u32 s4, $0x1;
	s8 =	smul.u32 $0xC00, s8  }
0xc: {  	s9 =	sand.u32 $0x380, s9;
	s13 =	ssub.s32 s4, s10;
	s6 =	sshrl.u32 s6, $0x3  }
0xd: {  	s13 =	smax.u32 s13, $0x1;
	s8 =	sor.u32 s9, s8;
	s4 =	sadd.s32 s7, s6  }
0xe: {  	s8 =	sshrl.u32 s8, $0x3;
	s6 =	sadd.s32 $0x18000, s4;
	s7 =	sadd.s32 $0x30000, s4  }
0xf: {  	s9 =	sadd.s32 $0x60000, s4;
	s10 =	sadd.s32 $0x78000, s4;
	s11 =	sadd.s32 $0x90000, s4  }
0x10: {  	s12 =	sadd.s32 $0xA8000, s4;
	s5 =	sadd.s32 s5, s8;
	s8 =	sadd.s32 $0x48000, s4  }
.LBB2_1:
0x11: {  	[tilespmem:s3], [sflag:$0x1] =	stream.linear.gather [hbm4b:s1+s3], $0xC00, $0x38;
	[tilespmem:$0x6180] =	vst v63  }
0x12: {  	_ = 	snop  }
0x13: {  	[tilespmem:s17], [sflag:$0x1] =	stream.linear.gather [hbm4b:s14+s3], $0xC00, $0x38;
	[tilespmem:$0x6180] =	vst v63  }
0x14: {  	_ = 	snop  }
0x15: {  	[tilespmem:s18], [sflag:$0x1] =	stream.linear.gather [hbm4b:s15+s3], $0xC00, $0x38;
	[tilespmem:$0x6180] =	vst v63  }
0x16: {  	_ = 	snop  }
0x17: {  	[tilespmem:s19], [sflag:$0x1] =	stream.linear.gather [hbm4b:s16+s3], $0xC00, $0x38;
	[tilespmem:$0x6180] =	vst v63  }
0x18: {  	_ = 	snop  }
0x19: {  	[tilespmem:s22], [sflag:$0x2] =	stream.strided.gather [hbm4b:s5+s20], $0x180, s21, s20, $0x38;
	[tilespmem:$0x6180] =	vst v63  }
0x1a: {  	_ =	swait.ge [sflag:s23], $0x180  }
0x1b: {  	[sflag:s23] =	ssyncset.done $0x0  }
0x1c: {  	[sflag:s23] =	ssyncadd.s32 $0xFFFFFE80  }
0x1d: {  	v0 =	vld [tilespmem:$0x6000]  }
0x1e: {  	v1 =	vld [tilespmem:$0x6010]  }
0x1f: {  	v2 =	vld [tilespmem:$0x6020]  }
0x20: {  	v3 =	vld [tilespmem:$0x6030]  }
0x21: {  	v4 =	vld [tilespmem:$0x6040]  }
0x22: {  	v5 =	vld [tilespmem:$0x6050]  }
0x23: {  	v6 =	vld [tilespmem:$0x6060]  }
0x24: {  	v7 =	vld [tilespmem:$0x6070]  }
0x25: {  	v8 =	vld [tilespmem:$0x6080]  }
0x26: {  	v9 =	vld [tilespmem:$0x6090]  }
0x27: {  	v10 =	vld [tilespmem:$0x60A0]  }
0x28: {  	v11 =	vld [tilespmem:$0x60B0]  }
0x29: {  	v12 =	vld [tilespmem:$0x60C0]  }
0x2a: {  	v13 =	vld [tilespmem:$0x60D0]  }
0x2b: {  	v14 =	vld [tilespmem:$0x60E0]  }
0x2c: {  	v15 =	vld [tilespmem:$0x60F0]  }
0x2d: {  	v16 =	vld [tilespmem:$0x6100]  }
0x2e: {  	v17 =	vld [tilespmem:$0x6110]  }
0x2f: {  	s26 =	simm.s32 $0x0;
	v23 =	vld [tilespmem:$0x6170]  }
0x30: {  	s26 =	smul.u32 $0x6000, s26;
	v18 =	vld [tilespmem:$0x6120]  }
0x31: {  	v19 =	vld [tilespmem:$0x6130]  }
0x32: {  	s28 =	sand.u32 $0x380, s3;
	s26 =	sshra.s32 s26, $0x2;
	v20 =	vld [tilespmem:$0x6140]  }
0x33: {  	s26 =	sor.u32 s28, s26;
	v21 =	vld [tilespmem:$0x6150]  }
0x34: {  	v22 =	vld [tilespmem:$0x6160];
	[tilespmem:s26+$0x1470] =	vst v23  }
0x35: {  	[tilespmem:s26+$0xC00] =	vst v0  }
0x36: {  	[tilespmem:s26+$0xC10] =	vst v1  }
0x37: {  	[tilespmem:s26+$0xC20] =	vst v2  }
0x38: {  	[tilespmem:s26+$0xC30] =	vst v3  }
0x39: {  	[tilespmem:s26+$0xC40] =	vst v4  }
0x3a: {  	[tilespmem:s26+$0xC50] =	vst v5  }
0x3b: {  	[tilespmem:s26+$0xC60] =	vst v6  }
0x3c: {  	[tilespmem:s26+$0xC70] =	vst v7  }
0x3d: {  	[tilespmem:s26+$0x1000] =	vst v8  }
0x3e: {  	[tilespmem:s26+$0x1010] =	vst v9  }
0x3f: {  	[tilespmem:s26+$0x1020] =	vst v10  }
0x40: {  	[tilespmem:s26+$0x1030] =	vst v11  }
0x41: {  	[tilespmem:s26+$0x1040] =	vst v12  }
0x42: {  	[tilespmem:s26+$0x1050] =	vst v13  }
0x43: {  	[tilespmem:s26+$0x1060] =	vst v14  }
0x44: {  	[tilespmem:s26+$0x1070] =	vst v15  }
0x45: {  	[tilespmem:s26+$0x1400] =	vst v16  }
0x46: {  	[tilespmem:s26+$0x1410] =	vst v17  }
0x47: {  	s30 =	simm.s32 $0x0;
	s29 =	simm.s32 $0x2;
	s28 =	simm.s32 $0x0;
	[tilespmem:s26+$0x1420] =	vst v18  }
.LBB2_2:
0x48: {  	p0 =	sne.s32 s29, $0x1F;
	s30 =	smul.u32 $0x6000, s30;
	[tilespmem:s26+$0x1430] =	vst v19  }
0x49: {  	s28 =	sadd.s32 $0x80, s28;
	[tilespmem:s26+$0x1440] =	vst v20  }
0x4a: {  	s31 =	sand.u32 $0x380, s28;
	s30 =	sshra.s32 s30, $0x2;
	[tilespmem:s26+$0x1450] =	vst v21  }
0x4b: {  	[tilespmem:s26+$0x1460] =	vst v22;
	s26 =	sor.u32 s31, s30  }
0x4c: {  	[tilespmem:s26+$0x1470] =	vst v23  }
0x4d: {  	[tilespmem:s26+$0xC00] =	vst v0  }
0x4e: {  	[tilespmem:s26+$0xC10] =	vst v1  }
0x4f: {  	[tilespmem:s26+$0xC20] =	vst v2  }
0x50: {  	[tilespmem:s26+$0xC30] =	vst v3  }
0x51: {  	[tilespmem:s26+$0xC40] =	vst v4  }
0x52: {  	[tilespmem:s26+$0xC50] =	vst v5  }
0x53: {  	[tilespmem:s26+$0xC60] =	vst v6  }
0x54: {  	[tilespmem:s26+$0xC70] =	vst v7  }
0x55: {  	[tilespmem:s26+$0x1000] =	vst v8  }
0x56: {  	[tilespmem:s26+$0x1010] =	vst v9  }
0x57: {  	[tilespmem:s26+$0x1020] =	vst v10  }
0x58: {  	[tilespmem:s26+$0x1030] =	vst v11  }
0x59: {  	[tilespmem:s26+$0x1040] =	vst v12  }
0x5a: {  	[tilespmem:s26+$0x1050] =	vst v13  }
.Ltmp0:
0x5b: {  	[tilespmem:s26+$0x1060] =	vst v14;
	(pc) =	sbr.rel @p0 .LBB2_2-.Ltmp0, $4  }
0x5c: {  	[tilespmem:s26+$0x1070] =	vst v15  }
0x5d: {  	[tilespmem:s26+$0x1400] =	vst v16  }
0x5e: {  	[tilespmem:s26+$0x1410] =	vst v17  }
0x5f: {  	s30 =	sshrl.u32 s29, $0x3;
	s29 =	sadd.s32 $0x1, s29;
	[tilespmem:s26+$0x1420] =	vst v18  }
0x60: {  	s29 =	smul.u32 $0x6000, s30;
	[tilespmem:s26+$0x1430] =	vst v19  }
0x61: {  	[tilespmem:s26+$0x1440] =	vst v20;
	s28 =	sadd.s32 $0x80, s28  }
0x62: {  	[tilespmem:s26+$0x1450] =	vst v21;
	s28 =	sand.u32 $0x380, s28;
	s29 =	sshra.s32 s29, $0x2  }
0x63: {  	[tilespmem:s26+$0x1460] =	vst v22;
	s28 =	sor.u32 s28, s29  }
0x64: {  	[tilespmem:s28+$0x1470] =	vst v23  }
0x65: {  	[tilespmem:s28+$0xC00] =	vst v0  }
0x66: {  	[tilespmem:s28+$0xC10] =	vst v1  }
0x67: {  	[tilespmem:s28+$0xC20] =	vst v2  }
0x68: {  	[tilespmem:s28+$0xC30] =	vst v3  }
0x69: {  	[tilespmem:s28+$0xC40] =	vst v4  }
0x6a: {  	[tilespmem:s28+$0xC50] =	vst v5  }
0x6b: {  	[tilespmem:s28+$0xC60] =	vst v6  }
0x6c: {  	[tilespmem:s28+$0xC70] =	vst v7  }
0x6d: {  	[tilespmem:s28+$0x1000] =	vst v8  }
0x6e: {  	[tilespmem:s28+$0x1010] =	vst v9  }
0x6f: {  	[tilespmem:s28+$0x1020] =	vst v10  }
0x70: {  	[tilespmem:s28+$0x1030] =	vst v11  }
0x71: {  	[tilespmem:s28+$0x1040] =	vst v12  }
0x72: {  	[tilespmem:s28+$0x1050] =	vst v13  }
0x73: {  	[tilespmem:s28+$0x1060] =	vst v14  }
0x74: {  	[tilespmem:s28+$0x1070] =	vst v15  }
0x75: {  	[tilespmem:s28+$0x1400] =	vst v16  }
0x76: {  	[tilespmem:s28+$0x1410] =	vst v17  }
0x77: {  	[tilespmem:s28+$0x1420] =	vst v18  }
0x78: {  	[tilespmem:s28+$0x1430] =	vst v19  }
0x79: {  	[tilespmem:s28+$0x1440] =	vst v20  }
0x7a: {  	[tilespmem:s28+$0x1450] =	vst v21  }
0x7b: {  	[tilespmem:s28+$0x1460] =	vst v22  }
0x7c: {  	_ =	swait.ge [sflag:s24], $0x3000  }
0x7d: {  	[sflag:s24] =	ssyncset.done $0x0  }
0x7e: {  	[sflag:s24] =	ssyncadd.s32 $0xFFFFD000  }
0x7f: {  	[hbm4b:s4+s3] =	stream.linear.scatter [tilespmem:s3], [sflag:$0x1], $0x6000, $0x38;
	[tilespmem:$0x6180] =	vst v63  }
0x80: {  	_ = 	snop  }
0x81: {  	[hbm4b:s6+s3] =	stream.linear.scatter [tilespmem:s3], [sflag:$0x1], $0x6000, $0x38;
	[tilespmem:$0x6180] =	vst v63  }
0x82: {  	_ = 	snop  }
0x83: {  	[hbm4b:s7+s3] =	stream.linear.scatter [tilespmem:s3], [sflag:$0x1], $0x6000, $0x38;
	[tilespmem:$0x6180] =	vst v63  }
0x84: {  	_ = 	snop  }
0x85: {  	[hbm4b:s8+s3] =	stream.linear.scatter [tilespmem:s3], [sflag:$0x1], $0x6000, $0x38;
	[tilespmem:$0x6180] =	vst v63  }
0x86: {  	_ = 	snop  }
0x87: {  	[hbm4b:s9+s3] =	stream.linear.scatter [tilespmem:s3], [sflag:$0x1], $0x6000, $0x38;
	[tilespmem:$0x6180] =	vst v63  }
0x88: {  	_ = 	snop  }
0x89: {  	[hbm4b:s10+s3] =	stream.linear.scatter [tilespmem:s3], [sflag:$0x1], $0x6000, $0x38;
	[tilespmem:$0x6180] =	vst v63  }
0x8a: {  	_ = 	snop  }
0x8b: {  	[hbm4b:s11+s3] =	stream.linear.scatter [tilespmem:s3], [sflag:$0x1], $0x6000, $0x38;
	[tilespmem:$0x6180] =	vst v63  }
0x8c: {  	_ = 	snop  }
0x8d: {  	[hbm4b:s12+s3] =	stream.linear.scatter [tilespmem:s3], [sflag:$0x1], $0x6000, $0x38;
	[tilespmem:$0x6180] =	vst v63  }
0x8e: {  	_ =	swait.ge [sflag:s24], $0x6000  }
0x8f: {  	[sflag:s24] =	ssyncset.done $0x0  }
0x90: {  	[sflag:s24] =	ssyncadd.s32 $0xFFFFA000  }
0x91: {  	_ =	swait.ge [sflag:s24], $0x6000  }
0x92: {  	[sflag:s24] =	ssyncset.done $0x0  }
0x93: {  	[sflag:s24] =	ssyncadd.s32 $0xFFFFA000  }
0x94: {  	_ =	swait.ge [sflag:s24], $0x6000  }
0x95: {  	[sflag:s24] =	ssyncset.done $0x0  }
0x96: {  	[sflag:s24] =	ssyncadd.s32 $0xFFFFA000  }
0x97: {  	_ =	swait.ge [sflag:s24], $0x6000  }
0x98: {  	[sflag:s24] =	ssyncset.done $0x0  }
0x99: {  	[sflag:s24] =	ssyncadd.s32 $0xFFFFA000  }
0x9a: {  	_ =	swait.ge [sflag:s24], $0x6000  }
0x9b: {  	[sflag:s24] =	ssyncset.done $0x0  }
0x9c: {  	[sflag:s24] =	ssyncadd.s32 $0xFFFFA000  }
0x9d: {  	_ =	swait.ge [sflag:s24], $0x6000  }
0x9e: {  	[sflag:s24] =	ssyncset.done $0x0  }
0x9f: {  	s25 =	sadd.s32 $0x1, s25;
	[sflag:s24] =	ssyncadd.s32 $0xFFFFA000  }
0xa0: {  	p0 =	sne.s32 s25, s13;
	_ =	swait.ge [sflag:s24], $0x6000  }
.Ltmp1:
0xa1: {  	[sflag:s24] =	ssyncset.done $0x0;
	(pc) =	sbr.rel @p0 .LBB2_1-.Ltmp1, $4  }
0xa2: {  	[sflag:s24] =	ssyncadd.s32 $0xFFFFA000  }
0xa3: {  	_ =	swait.ge [sflag:s24], $0x6000  }
0xa4: {  	[sflag:s24] =	ssyncset.done $0x0  }
0xa5: {  	[sflag:s24] =	ssyncadd.s32 $0xFFFFA000  }
0xa6: {  	_ =	sfence.sel $0x180000  }
0xa7: {  	[bflag:$0x0] =	sbarrier.arrive $0xFFFF  }
0xa8: {  	p0 =	sne.s32 s0, $0x0;
	_ =	strace $0x90000047  }
0xa9: {  	s0 =	sadd.s32 @!p0 $0x100000, s2;
	[bflag:$0x2] =	sbarrier.arrive $0xFFFF  }
0xaa: {  	[sflag:s0] =	ssyncadd.tile.s32 @!p0 $0x1;
	_ =	shalt  }
.Lfunc_end2:
_tile_overlayer_lowered:
.L_overlay_start_2:
0xab: {  	(tag) =	ssettag $0x2  }
0xac: {  	s0 =	rddreg [dreg:$0x0];
	s2 =	stileid.u32  }
0xad: {  	s1 =	rddreg [dreg:$0x1];
	p0 =	sne.s32 s2, $0x0  }
0xae: {  	s3 =	rddreg [dreg:$0x2];
	[bflag:$0x3] =	sbarrier.arrive $0xFFFF;
	s2 =	simm.s32 @!p0 $0x1C03  }
0xaf: {  	[timem:s3], [sflag:s2] =	dma.local @!p0 [hbm:s0], s1  }
0xb0: {  	s0 =	simm.s32 @!p0 $0x3  }
0xb1: {  	_ =	swait.ge @!p0 [sflag:s0], s1  }
0xb2: {  	s1 =	ssub.s32 @!p0 $0x0, s1;
	[sflag:s0] =	ssyncset.done @!p0 $0x0  }
0xb3: {  	[sflag:s0] =	ssyncadd.s32 @!p0 s1  }
0xb4: {  	[bflag:$0x3] =	sbarrier.arrive $0xFFFF  }
0xb5: {  	_ =	shalt  }

</sc_bundles>
